<compile_context>
chip_gen: v7x
topology: tpu7x:2x2x1
jax: 0.10.2.dev20260603
libtpu: 0.0.44.dev20260713+nightly
codegen_flags: <defaults>
</compile_context>

<pallas_src>
import functools

import jax
import jax.numpy as jnp
from jax import lax
from jax.experimental import pallas as pl
from jax.experimental.pallas import tpu as pltpu
from jax.experimental.pallas import tpu_sc as plsc

_K = 1024
_D = 256
_B = 8
_T = 576
_N = _B * _T

_NW = 32
_BPW = _N // _NW
_GCH = 48


def _tc_body(x_ref, e_ref, idx_ref, loss_ref, cmt_ref, perp_ref,
             hist_acc, loss_acc):
    b = pl.program_id(0)
    x = x_ref[0]
    e = e_ref[...]
    scores = lax.dot_general(e, x, (((1,), (0,)), ((), ())),
                             preferred_element_type=jnp.float32)
    e2 = jnp.sum(e * e, axis=1, keepdims=True)
    x2 = jnp.sum(x * x, axis=0, keepdims=True)
    dist = x2 - 2.0 * scores + e2
    idx = jnp.argmin(dist, axis=0)
    minv = jnp.min(dist, axis=0)
    idx_ref[0, 0, :] = idx

    iota_k = lax.broadcasted_iota(jnp.int32, (_K, _T), 0)
    eq = (iota_k == idx[None, :]).astype(jnp.float32)
    hist_part = jnp.sum(eq, axis=1, keepdims=True)
    loss_part = jnp.sum(minv)

    @pl.when(b == 0)
    def _init():
        hist_acc[...] = jnp.zeros_like(hist_acc)
        loss_acc[0] = 0.0

    hist_acc[...] += hist_part
    loss_acc[0] += loss_part

    @pl.when(b == _B - 1)
    def _finish():
        mse = loss_acc[0] / (_N * _D)
        cmt_ref[0, 0] = mse
        loss_ref[0, 0] = mse * 1.2
        avg = hist_acc[...] / _N
        ent = jnp.sum(avg * jnp.log(avg + 1e-10))
        perp_ref[0, 0] = jnp.exp(-ent)


def _tc_call(inputs, embed_weight):
    return pl.pallas_call(
        _tc_body,
        grid=(_B,),
        in_specs=[
            pl.BlockSpec((1, _D, _T), lambda b: (b, 0, 0)),
            pl.BlockSpec((_K, _D), lambda b: (0, 0)),
        ],
        out_specs=(
            pl.BlockSpec((1, 1, _T), lambda b: (b, 0, 0)),
            pl.BlockSpec((1, 1), lambda b: (0, 0), memory_space=pltpu.SMEM),
            pl.BlockSpec((1, 1), lambda b: (0, 0), memory_space=pltpu.SMEM),
            pl.BlockSpec((1, 1), lambda b: (0, 0), memory_space=pltpu.SMEM),
        ),
        out_shape=(
            jax.ShapeDtypeStruct((_B, 1, _T), jnp.int32),
            jax.ShapeDtypeStruct((1, 1), jnp.float32),
            jax.ShapeDtypeStruct((1, 1), jnp.float32),
            jax.ShapeDtypeStruct((1, 1), jnp.float32),
        ),
        scratch_shapes=[
            pltpu.VMEM((_K, 1), jnp.float32),
            pltpu.SMEM((1,), jnp.float32),
        ],
    )(inputs, embed_weight)


@functools.cache
def _get_sc_gather():
    mesh = plsc.VectorSubcoreMesh(core_axis_name="c", subcore_axis_name="s")

    @functools.partial(
        pl.kernel,
        mesh=mesh,
        out_type=jax.ShapeDtypeStruct((_N, _D), jnp.float32),
        scratch_types=[
            pltpu.VMEM((_BPW,), jnp.int32),
            pltpu.VMEM((_BPW, _D), jnp.float32),
            pltpu.SemaphoreType.DMA,
            pltpu.SemaphoreType.DMA,
        ],
    )
    def _sc_gather(table_hbm, idx_hbm, out_hbm, idx_v, rows_v, sem, wsem):
        wid = lax.axis_index("s") * 2 + lax.axis_index("c")
        base = wid * _BPW
        pltpu.sync_copy(idx_hbm.at[pl.ds(base, _BPW)], idx_v)
        gathers = [
            pltpu.async_copy(table_hbm.at[idx_v.at[pl.ds(j * _GCH, _GCH)]],
                             rows_v.at[pl.ds(j * _GCH, _GCH)], sem)
            for j in range(_BPW // _GCH)
        ]
        writes = []
        for j, g in enumerate(gathers):
            g.wait()
            writes.append(
                pltpu.async_copy(rows_v.at[pl.ds(j * _GCH, _GCH)],
                                 out_hbm.at[pl.ds(base + j * _GCH, _GCH)],
                                 wsem))
        for w in writes:
            w.wait()

    return _sc_gather


def kernel(inputs, embed_weight, training):
    idx3, loss, cmt, perp = _tc_call(inputs, embed_weight)
    idx_flat = idx3.reshape(_N)
    qflat = _get_sc_gather()(embed_weight, idx_flat)
    quantized_out = jnp.transpose(qflat.reshape(_B, _T, _D), (0, 2, 1))
    enc_idx = idx_flat.reshape(_B, _T, 1).astype(jnp.int64)
    return (quantized_out, loss[0, 0], cmt[0, 0], enc_idx, perp[0, 0])

# --- scband reference (transcript-rebuilt; emitter-appended) ---
"""Pipeline reference for scband-vector-quantizer-43387759624352 (READ-ONLY COPY).

The authoritative reference and input builder live on the scoring server;
editing this copy changes nothing except your own understanding.
"""

import jax, jax.numpy as jnp
import numpy as np

N_CODES = 1024
CODE_DIM = 256

def setup_inputs(seed: int = 0) -> dict:
    key = jax.random.key(seed)
    k1, k2 = jax.random.split(key)
    inputs = jax.random.normal(k1, (8, CODE_DIM, 576), dtype=jnp.float32)
    embed_weight = jax.random.normal(k2, (N_CODES, CODE_DIM), dtype=jnp.float32)
    return {"inputs": inputs, "embed_weight": embed_weight, "training": False}

def reference(inputs, embed_weight, training):
    # inputs: [B, code_dim, T]; inference path (self.training == False)
    batch_size = inputs.shape[0]
    x = jnp.transpose(inputs, (0, 2, 1))  # [B, T, D]
    input_shape = x.shape
    flat_inputs = x.reshape(-1, CODE_DIM)  # [N, D]
    distances = (jnp.sum(flat_inputs ** 2, axis=1, keepdims=True)
                 - 2.0 * jnp.matmul(flat_inputs, embed_weight.T)
                 + jnp.sum(embed_weight ** 2, axis=1))  # [N, K]
    encoding_indices = jnp.argmin(distances, axis=1)[:, None]  # [N, 1]
    encodings = jax.nn.one_hot(encoding_indices[:, 0], N_CODES, dtype=flat_inputs.dtype)  # [N, K]
    quantized = jnp.matmul(encodings, embed_weight).reshape(input_shape)  # [B, T, D]
    codebook_loss = jnp.mean((jax.lax.stop_gradient(quantized) - x) ** 2)
    cmt_loss = jnp.mean((quantized - jax.lax.stop_gradient(x)) ** 2)
    loss = codebook_loss + cmt_loss * 0.2
    quantized_st = x + jax.lax.stop_gradient(quantized - x)
    quantized_out = jnp.transpose(quantized_st, (0, 2, 1))  # [B, D, T]
    avg_probs = jnp.mean(encodings, axis=0)
    perplexity = jnp.exp(-jnp.sum(avg_probs * jnp.log(avg_probs + 1e-10)))
    enc_idx = encoding_indices.reshape(batch_size, -1, 1).astype(jnp.int64)
    return (quantized_out, loss, cmt_loss, enc_idx, perplexity)

if __name__ == "__main__":
    import jax
    _d = setup_inputs()
    print(jax.jit(kernel)(*tuple(_d.values())))

</pallas_src>

<mosaic_0001>
#map = affine_map<(d0, d1) -> (0, 0)>
#map1 = affine_map<(d0, d1) -> (0)>
module attributes {stable_mosaic.version = 14 : i64} {
  func.func @_sc_gather(%arg0: i32, %arg1: i32, %arg2: memref<1024x256xf32, #tpu.memory_space<hbm>>, %arg3: memref<4608xi32, #tpu.memory_space<hbm>>, %arg4: memref<4608x256xf32, #tpu.memory_space<hbm>>, %arg5: memref<144xi32, #tpu.memory_space<vmem>>, %arg6: memref<144x256xf32, #tpu.memory_space<vmem>>, %arg7: memref<!tpu.dma_semaphore, #tpu.memory_space<semaphore_mem>>, %arg8: memref<!tpu.dma_semaphore, #tpu.memory_space<semaphore_mem>>) attributes {dimension_semantics = [#tpu.dimension_semantics<core_parallel>, #tpu.dimension_semantics<subcore_parallel>], iteration_bounds = array<i64: 2, 16>, scalar_prefetch = 0 : i64, scratch_operands = 4 : i64, tpu.core_type = #tpu.core_type<sc_vector_subcore>, window_params = [{transform_indices = #map}, {transform_indices = #map1}, {transform_indices = #map}]} {
    %mul3A = arith.constant 2 : i32
    %mul3A_0 = arith.muli %arg1, %mul3A : i32
    %add3A = arith.addi %mul3A_0, %arg0 : i32
    %mul3A_1 = arith.constant 144 : i32
    %mul3A_2 = arith.muli %add3A, %mul3A_1 : i32
    "tpu.region"() ({
      %run_scoped3A = tpu.sem_alloc : memref<!tpu.dma_semaphore, #tpu.memory_space<semaphore_mem>>
      %dma_start3A_115 = tpu.memref_slice %arg3[%mul3A_2] : memref<4608xi32, #tpu.memory_space<hbm>> -> memref<144xi32, #tpu.memory_space<hbm>>
      %dma_start3A_116 = tpu.memref_slice %arg3[%mul3A_2] : memref<4608xi32, #tpu.memory_space<hbm>> -> memref<144xi32, #tpu.memory_space<hbm>>
      tpu.enqueue_dma source(%dma_start3A_116 : memref<144xi32, #tpu.memory_space<hbm>>) target(%arg5 : memref<144xi32, #tpu.memory_space<vmem>>) target_semaphore(%run_scoped3A : memref<!tpu.dma_semaphore, #tpu.memory_space<semaphore_mem>>)
      %dma_wait3A_117 = tpu.memref_slice %arg3[%mul3A_2] : memref<4608xi32, #tpu.memory_space<hbm>> -> memref<144xi32, #tpu.memory_space<hbm>>
      %dma_wait3A_118 = tpu.memref_slice %arg3[%mul3A_2] : memref<4608xi32, #tpu.memory_space<hbm>> -> memref<144xi32, #tpu.memory_space<hbm>>
      tpu.wait_dma2 semaphore(%run_scoped3A : memref<!tpu.dma_semaphore, #tpu.memory_space<semaphore_mem>>) src(%dma_wait3A_118 : memref<144xi32, #tpu.memory_space<hbm>>) dst(%arg5 : memref<144xi32, #tpu.memory_space<vmem>>)
      tpu.yield
    }) : () -> ()
    %dma_start3A = arith.constant 0 : i32
    %dma_start3A_3 = arith.constant 0 : i32
    %dma_start3A_4 = tpu.memref_slice %arg6[%dma_start3A, %dma_start3A_3] : memref<144x256xf32, #tpu.memory_space<vmem>> -> memref<48x256xf32, #tpu.memory_space<vmem>>
    %dma_start3A_5 = arith.constant 0 : i32
    %dma_start3A_6 = tpu.memref_slice %arg5[%dma_start3A_5] : memref<144xi32, #tpu.memory_space<vmem>> -> memref<48xi32, #tpu.memory_space<vmem>>
    %dma_start3A_7 = arith.constant 0 : i32
    %dma_start3A_8 = arith.constant 0 : i32
    %dma_start3A_9 = tpu.memref_slice %arg2[%dma_start3A_7, %dma_start3A_8] : memref<1024x256xf32, #tpu.memory_space<hbm>> -> memref<1024x256xf32, #tpu.memory_space<hbm>>
    tpu.enqueue_indirect_dma source(%dma_start3A_9 : memref<1024x256xf32, #tpu.memory_space<hbm>>) target(%dma_start3A_4 : memref<48x256xf32, #tpu.memory_space<vmem>>) offsets(%dma_start3A_6 : memref<48xi32, #tpu.memory_space<vmem>>) semaphore(%arg7 : memref<!tpu.dma_semaphore, #tpu.memory_space<semaphore_mem>>)
    %dma_start3A_10 = arith.constant 48 : i32
    %dma_start3A_11 = arith.constant 0 : i32
    %dma_start3A_12 = tpu.memref_slice %arg6[%dma_start3A_10, %dma_start3A_11] : memref<144x256xf32, #tpu.memory_space<vmem>> -> memref<48x256xf32, #tpu.memory_space<vmem>>
    %dma_start3A_13 = arith.constant 48 : i32
    %dma_start3A_14 = tpu.memref_slice %arg5[%dma_start3A_13] : memref<144xi32, #tpu.memory_space<vmem>> -> memref<48xi32, #tpu.memory_space<vmem>>
    %dma_start3A_15 = arith.constant 0 : i32
    %dma_start3A_16 = arith.constant 0 : i32
    %dma_start3A_17 = tpu.memref_slice %arg2[%dma_start3A_15, %dma_start3A_16] : memref<1024x256xf32, #tpu.memory_space<hbm>> -> memref<1024x256xf32, #tpu.memory_space<hbm>>
    tpu.enqueue_indirect_dma source(%dma_start3A_17 : memref<1024x256xf32, #tpu.memory_space<hbm>>) target(%dma_start3A_12 : memref<48x256xf32, #tpu.memory_space<vmem>>) offsets(%dma_start3A_14 : memref<48xi32, #tpu.memory_space<vmem>>) semaphore(%arg7 : memref<!tpu.dma_semaphore, #tpu.memory_space<semaphore_mem>>)
    %dma_start3A_18 = arith.constant 96 : i32
    %dma_start3A_19 = arith.constant 0 : i32
    %dma_start3A_20 = tpu.memref_slice %arg6[%dma_start3A_18, %dma_start3A_19] : memref<144x256xf32, #tpu.memory_space<vmem>> -> memref<48x256xf32, #tpu.memory_space<vmem>>
    %dma_start3A_21 = arith.constant 96 : i32
    %dma_start3A_22 = tpu.memref_slice %arg5[%dma_start3A_21] : memref<144xi32, #tpu.memory_space<vmem>> -> memref<48xi32, #tpu.memory_space<vmem>>
    %dma_start3A_23 = arith.constant 0 : i32
    %dma_start3A_24 = arith.constant 0 : i32
    %dma_start3A_25 = tpu.memref_slice %arg2[%dma_start3A_23, %dma_start3A_24] : memref<1024x256xf32, #tpu.memory_space<hbm>> -> memref<1024x256xf32, #tpu.memory_space<hbm>>
    tpu.enqueue_indirect_dma source(%dma_start3A_25 : memref<1024x256xf32, #tpu.memory_space<hbm>>) target(%dma_start3A_20 : memref<48x256xf32, #tpu.memory_space<vmem>>) offsets(%dma_start3A_22 : memref<48xi32, #tpu.memory_space<vmem>>) semaphore(%arg7 : memref<!tpu.dma_semaphore, #tpu.memory_space<semaphore_mem>>)
    %dma_wait3A = arith.constant 0 : i32
    %dma_wait3A_26 = arith.constant 0 : i32
    %dma_wait3A_27 = tpu.memref_slice %arg6[%dma_wait3A, %dma_wait3A_26] : memref<144x256xf32, #tpu.memory_space<vmem>> -> memref<48x256xf32, #tpu.memory_space<vmem>>
    %dma_wait3A_28 = arith.constant 0 : i32
    %dma_wait3A_29 = tpu.memref_slice %arg5[%dma_wait3A_28] : memref<144xi32, #tpu.memory_space<vmem>> -> memref<48xi32, #tpu.memory_space<vmem>>
    %dma_wait3A_30 = arith.constant 0 : i32
    %dma_wait3A_31 = arith.constant 0 : i32
    %dma_wait3A_32 = tpu.memref_slice %arg2[%dma_wait3A_30, %dma_wait3A_31] : memref<1024x256xf32, #tpu.memory_space<hbm>> -> memref<1024x256xf32, #tpu.memory_space<hbm>>
    tpu.wait_indirect_dma semaphore(%arg7 : memref<!tpu.dma_semaphore, #tpu.memory_space<semaphore_mem>>) src(%dma_wait3A_32 : memref<1024x256xf32, #tpu.memory_space<hbm>>) dst(%dma_wait3A_27 : memref<48x256xf32, #tpu.memory_space<vmem>>)
    %add3A_33 = arith.constant 0 : i32
    %add3A_34 = arith.addi %mul3A_2, %add3A_33 : i32
    %dma_start3A_35 = arith.constant 0 : i32
    %dma_start3A_36 = arith.constant 0 : i32
    %dma_start3A_37 = tpu.memref_slice %arg6[%dma_start3A_35, %dma_start3A_36] : memref<144x256xf32, #tpu.memory_space<vmem>> -> memref<48x256xf32, #tpu.memory_space<vmem>>
    %dma_start3A_38 = arith.constant 0 : i32
    %dma_start3A_39 = tpu.memref_slice %arg4[%add3A_34, %dma_start3A_38] : memref<4608x256xf32, #tpu.memory_space<hbm>> -> memref<48x256xf32, #tpu.memory_space<hbm>>
    %dma_start3A_40 = arith.constant 0 : i32
    %dma_start3A_41 = tpu.memref_slice %arg4[%add3A_34, %dma_start3A_40] : memref<4608x256xf32, #tpu.memory_space<hbm>> -> memref<48x256xf32, #tpu.memory_space<hbm>>
    %dma_start3A_42 = arith.constant 0 : i32
    %dma_start3A_43 = arith.constant 0 : i32
    %dma_start3A_44 = tpu.memref_slice %arg6[%dma_start3A_42, %dma_start3A_43] : memref<144x256xf32, #tpu.memory_space<vmem>> -> memref<48x256xf32, #tpu.memory_space<vmem>>
    tpu.enqueue_dma source(%dma_start3A_44 : memref<48x256xf32, #tpu.memory_space<vmem>>) target(%dma_start3A_41 : memref<48x256xf32, #tpu.memory_space<hbm>>) target_semaphore(%arg8 : memref<!tpu.dma_semaphore, #tpu.memory_space<semaphore_mem>>)
    %dma_wait3A_45 = arith.constant 48 : i32
    %dma_wait3A_46 = arith.constant 0 : i32
    %dma_wait3A_47 = tpu.memref_slice %arg6[%dma_wait3A_45, %dma_wait3A_46] : memref<144x256xf32, #tpu.memory_space<vmem>> -> memref<48x256xf32, #tpu.memory_space<vmem>>
    %dma_wait3A_48 = arith.constant 48 : i32
    %dma_wait3A_49 = tpu.memref_slice %arg5[%dma_wait3A_48] : memref<144xi32, #tpu.memory_space<vmem>> -> memref<48xi32, #tpu.memory_space<vmem>>
    %dma_wait3A_50 = arith.constant 0 : i32
    %dma_wait3A_51 = arith.constant 0 : i32
    %dma_wait3A_52 = tpu.memref_slice %arg2[%dma_wait3A_50, %dma_wait3A_51] : memref<1024x256xf32, #tpu.memory_space<hbm>> -> memref<1024x256xf32, #tpu.memory_space<hbm>>
    tpu.wait_indirect_dma semaphore(%arg7 : memref<!tpu.dma_semaphore, #tpu.memory_space<semaphore_mem>>) src(%dma_wait3A_52 : memref<1024x256xf32, #tpu.memory_space<hbm>>) dst(%dma_wait3A_47 : memref<48x256xf32, #tpu.memory_space<vmem>>)
    %add3A_53 = arith.constant 48 : i32
    %add3A_54 = arith.addi %mul3A_2, %add3A_53 : i32
    %dma_start3A_55 = arith.constant 48 : i32
    %dma_start3A_56 = arith.constant 0 : i32
    %dma_start3A_57 = tpu.memref_slice %arg6[%dma_start3A_55, %dma_start3A_56] : memref<144x256xf32, #tpu.memory_space<vmem>> -> memref<48x256xf32, #tpu.memory_space<vmem>>
    %dma_start3A_58 = arith.constant 0 : i32
    %dma_start3A_59 = tpu.memref_slice %arg4[%add3A_54, %dma_start3A_58] : memref<4608x256xf32, #tpu.memory_space<hbm>> -> memref<48x256xf32, #tpu.memory_space<hbm>>
    %dma_start3A_60 = arith.constant 0 : i32
    %dma_start3A_61 = tpu.memref_slice %arg4[%add3A_54, %dma_start3A_60] : memref<4608x256xf32, #tpu.memory_space<hbm>> -> memref<48x256xf32, #tpu.memory_space<hbm>>
    %dma_start3A_62 = arith.constant 48 : i32
    %dma_start3A_63 = arith.constant 0 : i32
    %dma_start3A_64 = tpu.memref_slice %arg6[%dma_start3A_62, %dma_start3A_63] : memref<144x256xf32, #tpu.memory_space<vmem>> -> memref<48x256xf32, #tpu.memory_space<vmem>>
    tpu.enqueue_dma source(%dma_start3A_64 : memref<48x256xf32, #tpu.memory_space<vmem>>) target(%dma_start3A_61 : memref<48x256xf32, #tpu.memory_space<hbm>>) target_semaphore(%arg8 : memref<!tpu.dma_semaphore, #tpu.memory_space<semaphore_mem>>)
    %dma_wait3A_65 = arith.constant 96 : i32
    %dma_wait3A_66 = arith.constant 0 : i32
    %dma_wait3A_67 = tpu.memref_slice %arg6[%dma_wait3A_65, %dma_wait3A_66] : memref<144x256xf32, #tpu.memory_space<vmem>> -> memref<48x256xf32, #tpu.memory_space<vmem>>
    %dma_wait3A_68 = arith.constant 96 : i32
    %dma_wait3A_69 = tpu.memref_slice %arg5[%dma_wait3A_68] : memref<144xi32, #tpu.memory_space<vmem>> -> memref<48xi32, #tpu.memory_space<vmem>>
    %dma_wait3A_70 = arith.constant 0 : i32
    %dma_wait3A_71 = arith.constant 0 : i32
    %dma_wait3A_72 = tpu.memref_slice %arg2[%dma_wait3A_70, %dma_wait3A_71] : memref<1024x256xf32, #tpu.memory_space<hbm>> -> memref<1024x256xf32, #tpu.memory_space<hbm>>
    tpu.wait_indirect_dma semaphore(%arg7 : memref<!tpu.dma_semaphore, #tpu.memory_space<semaphore_mem>>) src(%dma_wait3A_72 : memref<1024x256xf32, #tpu.memory_space<hbm>>) dst(%dma_wait3A_67 : memref<48x256xf32, #tpu.memory_space<vmem>>)
    %add3A_73 = arith.constant 96 : i32
    %add3A_74 = arith.addi %mul3A_2, %add3A_73 : i32
    %dma_start3A_75 = arith.constant 96 : i32
    %dma_start3A_76 = arith.constant 0 : i32
    %dma_start3A_77 = tpu.memref_slice %arg6[%dma_start3A_75, %dma_start3A_76] : memref<144x256xf32, #tpu.memory_space<vmem>> -> memref<48x256xf32, #tpu.memory_space<vmem>>
    %dma_start3A_78 = arith.constant 0 : i32
    %dma_start3A_79 = tpu.memref_slice %arg4[%add3A_74, %dma_start3A_78] : memref<4608x256xf32, #tpu.memory_space<hbm>> -> memref<48x256xf32, #tpu.memory_space<hbm>>
    %dma_start3A_80 = arith.constant 0 : i32
    %dma_start3A_81 = tpu.memref_slice %arg4[%add3A_74, %dma_start3A_80] : memref<4608x256xf32, #tpu.memory_space<hbm>> -> memref<48x256xf32, #tpu.memory_space<hbm>>
    %dma_start3A_82 = arith.constant 96 : i32
    %dma_start3A_83 = arith.constant 0 : i32
    %dma_start3A_84 = tpu.memref_slice %arg6[%dma_start3A_82, %dma_start3A_83] : memref<144x256xf32, #tpu.memory_space<vmem>> -> memref<48x256xf32, #tpu.memory_space<vmem>>
    tpu.enqueue_dma source(%dma_start3A_84 : memref<48x256xf32, #tpu.memory_space<vmem>>) target(%dma_start3A_81 : memref<48x256xf32, #tpu.memory_space<hbm>>) target_semaphore(%arg8 : memref<!tpu.dma_semaphore, #tpu.memory_space<semaphore_mem>>)
    %dma_wait3A_85 = arith.constant 0 : i32
    %dma_wait3A_86 = arith.constant 0 : i32
    %dma_wait3A_87 = tpu.memref_slice %arg6[%dma_wait3A_85, %dma_wait3A_86] : memref<144x256xf32, #tpu.memory_space<vmem>> -> memref<48x256xf32, #tpu.memory_space<vmem>>
    %dma_wait3A_88 = arith.constant 0 : i32
    %dma_wait3A_89 = tpu.memref_slice %arg4[%add3A_34, %dma_wait3A_88] : memref<4608x256xf32, #tpu.memory_space<hbm>> -> memref<48x256xf32, #tpu.memory_space<hbm>>
    %dma_wait3A_90 = arith.constant 0 : i32
    %dma_wait3A_91 = tpu.memref_slice %arg4[%add3A_34, %dma_wait3A_90] : memref<4608x256xf32, #tpu.memory_space<hbm>> -> memref<48x256xf32, #tpu.memory_space<hbm>>
    %dma_wait3A_92 = arith.constant 0 : i32
    %dma_wait3A_93 = arith.constant 0 : i32
    %dma_wait3A_94 = tpu.memref_slice %arg6[%dma_wait3A_92, %dma_wait3A_93] : memref<144x256xf32, #tpu.memory_space<vmem>> -> memref<48x256xf32, #tpu.memory_space<vmem>>
    tpu.wait_dma2 semaphore(%arg8 : memref<!tpu.dma_semaphore, #tpu.memory_space<semaphore_mem>>) src(%dma_wait3A_94 : memref<48x256xf32, #tpu.memory_space<vmem>>) dst(%dma_wait3A_91 : memref<48x256xf32, #tpu.memory_space<hbm>>)
    %dma_wait3A_95 = arith.constant 48 : i32
    %dma_wait3A_96 = arith.constant 0 : i32
    %dma_wait3A_97 = tpu.memref_slice %arg6[%dma_wait3A_95, %dma_wait3A_96] : memref<144x256xf32, #tpu.memory_space<vmem>> -> memref<48x256xf32, #tpu.memory_space<vmem>>
    %dma_wait3A_98 = arith.constant 0 : i32
    %dma_wait3A_99 = tpu.memref_slice %arg4[%add3A_54, %dma_wait3A_98] : memref<4608x256xf32, #tpu.memory_space<hbm>> -> memref<48x256xf32, #tpu.memory_space<hbm>>
    %dma_wait3A_100 = arith.constant 0 : i32
    %dma_wait3A_101 = tpu.memref_slice %arg4[%add3A_54, %dma_wait3A_100] : memref<4608x256xf32, #tpu.memory_space<hbm>> -> memref<48x256xf32, #tpu.memory_space<hbm>>
    %dma_wait3A_102 = arith.constant 48 : i32
    %dma_wait3A_103 = arith.constant 0 : i32
    %dma_wait3A_104 = tpu.memref_slice %arg6[%dma_wait3A_102, %dma_wait3A_103] : memref<144x256xf32, #tpu.memory_space<vmem>> -> memref<48x256xf32, #tpu.memory_space<vmem>>
    tpu.wait_dma2 semaphore(%arg8 : memref<!tpu.dma_semaphore, #tpu.memory_space<semaphore_mem>>) src(%dma_wait3A_104 : memref<48x256xf32, #tpu.memory_space<vmem>>) dst(%dma_wait3A_101 : memref<48x256xf32, #tpu.memory_space<hbm>>)
    %dma_wait3A_105 = arith.constant 96 : i32
    %dma_wait3A_106 = arith.constant 0 : i32
    %dma_wait3A_107 = tpu.memref_slice %arg6[%dma_wait3A_105, %dma_wait3A_106] : memref<144x256xf32, #tpu.memory_space<vmem>> -> memref<48x256xf32, #tpu.memory_space<vmem>>
    %dma_wait3A_108 = arith.constant 0 : i32
    %dma_wait3A_109 = tpu.memref_slice %arg4[%add3A_74, %dma_wait3A_108] : memref<4608x256xf32, #tpu.memory_space<hbm>> -> memref<48x256xf32, #tpu.memory_space<hbm>>
    %dma_wait3A_110 = arith.constant 0 : i32
    %dma_wait3A_111 = tpu.memref_slice %arg4[%add3A_74, %dma_wait3A_110] : memref<4608x256xf32, #tpu.memory_space<hbm>> -> memref<48x256xf32, #tpu.memory_space<hbm>>
    %dma_wait3A_112 = arith.constant 96 : i32
    %dma_wait3A_113 = arith.constant 0 : i32
    %dma_wait3A_114 = tpu.memref_slice %arg6[%dma_wait3A_112, %dma_wait3A_113] : memref<144x256xf32, #tpu.memory_space<vmem>> -> memref<48x256xf32, #tpu.memory_space<vmem>>
    tpu.wait_dma2 semaphore(%arg8 : memref<!tpu.dma_semaphore, #tpu.memory_space<semaphore_mem>>) src(%dma_wait3A_114 : memref<48x256xf32, #tpu.memory_space<vmem>>) dst(%dma_wait3A_111 : memref<48x256xf32, #tpu.memory_space<hbm>>)
    return
  }
}

module attributes {stable_mosaic.version = 14 : i64} {
  func.func @_tc_body(%arg0: i32, %arg1: memref<1x256x576xf32, #tpu.memory_space<vmem>>, %arg2: memref<1024x256xf32, #tpu.memory_space<vmem>>, %arg3: memref<1x1x576xi32, #tpu.memory_space<vmem>>, %arg4: memref<1x1xf32, #tpu.memory_space<smem>>, %arg5: memref<1x1xf32, #tpu.memory_space<smem>>, %arg6: memref<1x1xf32, #tpu.memory_space<smem>>, %arg7: memref<1024x1xf32, #tpu.memory_space<vmem>>, %arg8: memref<1xf32, #tpu.memory_space<smem>>) attributes {dimension_semantics = [#tpu.dimension_semantics<arbitrary>], iteration_bounds = array<i64: 8>, scalar_prefetch = 0 : i64, scratch_operands = 2 : i64, tpu.core_type = #tpu.core_type<tc>, window_params = [{transform_indices = @transform_0, window_bounds = array<i64: 1, 256, 576>}, {pipeline_mode = #tpu.pipeline_mode<synchronous>, transform_indices = @transform_1, window_bounds = array<i64: 1024, 256>}, {transform_indices = @transform_2, window_bounds = array<i64: 1, 1, 576>}, {transform_indices = @transform_3, window_bounds = array<i64: 1, 1>}, {transform_indices = @transform_4, window_bounds = array<i64: 1, 1>}, {transform_indices = @transform_5, window_bounds = array<i64: 1, 1>}]} {
    %get3A = arith.constant 0 : index
    %get3A_0 = arith.constant 0 : index
    %get3A_1 = arith.constant 0 : index
    %get3A_2 = vector.load %arg1[%get3A, %get3A_0, %get3A_1] : memref<1x256x576xf32, #tpu.memory_space<vmem>>, vector<1x256x576xf32>
    %get3A_3 = vector.shape_cast %get3A_2 : vector<1x256x576xf32> to vector<256x576xf32>
    %get3A_4 = arith.constant 0 : index
    %get3A_5 = arith.constant 0 : index
    %get3A_6 = vector.load %arg2[%get3A_4, %get3A_5] : memref<1024x256xf32, #tpu.memory_space<vmem>>, vector<1024x256xf32>
    %dot_general3A = arith.constant dense<0.000000e+00> : vector<1024x576xf32>
    %dot_general3A_7 = tpu.matmul %get3A_6, %get3A_3, %dot_general3A {dimension_numbers = #tpu.dot_dimension_numbers<[1], [0], [0], [1], [0, 0, 1, 1], [], []>, transpose_lhs_hint = false} : vector<1024x256xf32>, vector<256x576xf32>, vector<1024x576xf32> -> vector<1024x576xf32>
    %mul3A = arith.mulf %get3A_6, %get3A_6 : vector<1024x256xf32>
    %reduce_sum3A = arith.constant dense<0.000000e+00> : vector<1024xf32>
    %reduce_sum3A_8 = vector.multi_reduction <add>, %mul3A, %reduce_sum3A [1] : vector<1024x256xf32> to vector<1024xf32>
    %broadcast_in_dim3A = vector.shape_cast %reduce_sum3A_8 : vector<1024xf32> to vector<1024x1xf32>
    %mul3A_9 = arith.mulf %get3A_3, %get3A_3 : vector<256x576xf32>
    %reduce_sum3A_10 = arith.constant dense<0.000000e+00> : vector<576xf32>
    %reduce_sum3A_11 = vector.multi_reduction <add>, %mul3A_9, %reduce_sum3A_10 [0] : vector<256x576xf32> to vector<576xf32>
    %broadcast_in_dim3A_12 = vector.shape_cast %reduce_sum3A_11 : vector<576xf32> to vector<1x576xf32>
    %mul3A_13 = arith.constant 2.000000e+00 : f32
    %mul3A_14 = vector.broadcast %mul3A_13 : f32 to vector<1024x576xf32>
    %mul3A_15 = arith.mulf %mul3A_14, %dot_general3A_7 : vector<1024x576xf32>
    %sub3A = vector.broadcast %broadcast_in_dim3A_12 : vector<1x576xf32> to vector<1024x576xf32>
    %sub3A_16 = arith.subf %sub3A, %mul3A_15 : vector<1024x576xf32>
    %add3A = vector.broadcast %broadcast_in_dim3A : vector<1024x1xf32> to vector<1024x576xf32>
    %add3A_17 = arith.addf %sub3A_16, %add3A : vector<1024x576xf32>
    %argmin3A = tpu.reduce_index %add3A_17 {axis = 0 : i32, kind = #tpu.reduction_kind<arg_min>} : vector<1024x576xf32> -> vector<576xi32>
    %reduce_min3A = arith.constant dense<0x7F800000> : vector<576xf32>
    %reduce_min3A_18 = vector.multi_reduction <minimumf>, %add3A_17, %reduce_min3A [0] : vector<1024x576xf32> to vector<576xf32>
    %swap3A = arith.constant 0 : index
    %swap3A_19 = arith.constant 0 : index
    %swap3A_20 = arith.constant 0 : index
    %swap3A_21 = vector.load %arg3[%swap3A, %swap3A_19, %swap3A_20] : memref<1x1x576xi32, #tpu.memory_space<vmem>>, vector<1x1x576xi32>
    %swap3A_22 = vector.shape_cast %swap3A_21 : vector<1x1x576xi32> to vector<576xi32>
    %swap3A_23 = vector.shape_cast %argmin3A : vector<576xi32> to vector<1x1x576xi32>
    tpu.vector_store %arg3[%swap3A, %swap3A_19, %swap3A_20], %swap3A_23 {strides = array<i32>} : memref<1x1x576xi32, #tpu.memory_space<vmem>>, vector<1x1x576xi32>,
    %iota3A = tpu.iota {dimensions = array<i32: 0>} : vector<1024x576xi32>
    %broadcast_in_dim3A_24 = vector.shape_cast %argmin3A : vector<576xi32> to vector<1x576xi32>
    %eq3A = vector.broadcast %broadcast_in_dim3A_24 : vector<1x576xi32> to vector<1024x576xi32>
    %eq3A_25 = arith.cmpi eq, %iota3A, %eq3A : vector<1024x576xi32>
    %convert_element_type3A = arith.extui %eq3A_25 : vector<1024x576xi1> to vector<1024x576xi32>
    %convert_element_type3A_26 = arith.sitofp %convert_element_type3A : vector<1024x576xi32> to vector<1024x576xf32>
    %reduce_sum3A_27 = arith.constant dense<0.000000e+00> : vector<1024xf32>
    %reduce_sum3A_28 = vector.multi_reduction <add>, %convert_element_type3A_26, %reduce_sum3A_27 [1] : vector<1024x576xf32> to vector<1024xf32>
    %broadcast_in_dim3A_29 = vector.shape_cast %reduce_sum3A_28 : vector<1024xf32> to vector<1024x1xf32>
    %reduce_sum3A_30 = vector.shape_cast %reduce_min3A_18 : vector<576xf32> to vector<1x576xf32>
    %reduce_sum3A_31 = arith.constant dense<0.000000e+00> : vector<1xf32>
    %reduce_sum3A_32 = vector.multi_reduction <add>, %reduce_sum3A_30, %reduce_sum3A_31 [1] : vector<1x576xf32> to vector<1xf32>
    %reduce_sum3A_33 = vector.shape_cast %reduce_sum3A_32 : vector<1xf32> to vector<1x1xf32>
    %reduce_sum3A_34 = vector.extract %reduce_sum3A_33[0, 0] : f32 from vector<1x1xf32>
    %eq3A_35 = arith.constant 0 : i32
    %eq3A_36 = arith.cmpi eq, %arg0, %eq3A_35 : i32
    %convert_element_type3A_37 = arith.extui %eq3A_36 : i1 to i32
    %cond3A = arith.constant 0 : i32
    %cond3A_38 = arith.cmpi ne, %convert_element_type3A_37, %cond3A : i32
    scf.if %cond3A_38 {
      %broadcast_in_dim3A_56 = arith.constant 0.000000e+00 : f32
      %broadcast_in_dim3A_57 = vector.broadcast %broadcast_in_dim3A_56 : f32 to vector<1024x1xf32>
      %swap3A_58 = arith.constant 0 : index
      %swap3A_59 = arith.constant 0 : index
      %swap3A_60 = vector.load %arg7[%swap3A_58, %swap3A_59] : memref<1024x1xf32, #tpu.memory_space<vmem>>, vector<1024x1xf32>
      tpu.vector_store %arg7[%swap3A_58, %swap3A_59], %broadcast_in_dim3A_57 {strides = array<i32>} : memref<1024x1xf32, #tpu.memory_space<vmem>>, vector<1024x1xf32>,
      %swap3A_61 = arith.constant 0.000000e+00 : f32
      %swap3A_62 = arith.constant 0 : index
      %swap3A_63 = memref.load %arg8[%swap3A_62] : memref<1xf32, #tpu.memory_space<smem>>
      memref.store %swap3A_61, %arg8[%swap3A_62] : memref<1xf32, #tpu.memory_space<smem>>
    } else {
    }
    %get3A_39 = arith.constant 0 : index
    %get3A_40 = arith.constant 0 : index
    %get3A_41 = vector.load %arg7[%get3A_39, %get3A_40] : memref<1024x1xf32, #tpu.memory_space<vmem>>, vector<1024x1xf32>
    %add3A_42 = arith.addf %get3A_41, %broadcast_in_dim3A_29 : vector<1024x1xf32>
    %swap3A_43 = arith.constant 0 : index
    %swap3A_44 = arith.constant 0 : index
    %swap3A_45 = vector.load %arg7[%swap3A_43, %swap3A_44] : memref<1024x1xf32, #tpu.memory_space<vmem>>, vector<1024x1xf32>
    tpu.vector_store %arg7[%swap3A_43, %swap3A_44], %add3A_42 {strides = array<i32>} : memref<1024x1xf32, #tpu.memory_space<vmem>>, vector<1024x1xf32>,
    %get3A_46 = arith.constant 0 : index
    %get3A_47 = memref.load %arg8[%get3A_46] : memref<1xf32, #tpu.memory_space<smem>>
    %add3A_48 = arith.addf %get3A_47, %reduce_sum3A_34 : f32
    %swap3A_49 = arith.constant 0 : index
    %swap3A_50 = memref.load %arg8[%swap3A_49] : memref<1xf32, #tpu.memory_space<smem>>
    memref.store %add3A_48, %arg8[%swap3A_49] : memref<1xf32, #tpu.memory_space<smem>>
    %eq3A_51 = arith.constant 7 : i32
    %eq3A_52 = arith.cmpi eq, %arg0, %eq3A_51 : i32
    %convert_element_type3A_53 = arith.extui %eq3A_52 : i1 to i32
    %cond3A_54 = arith.constant 0 : i32
    %cond3A_55 = arith.cmpi ne, %convert_element_type3A_53, %cond3A_54 : i32
    scf.if %cond3A_55 {
      %get3A_56 = arith.constant 0 : index
      %get3A_57 = memref.load %arg8[%get3A_56] : memref<1xf32, #tpu.memory_space<smem>>
      %div3A = arith.constant 0x49900000 : f32
      %div3A_58 = arith.divf %get3A_57, %div3A : f32
      %swap3A_59 = arith.constant 0 : index
      %swap3A_60 = arith.constant 0 : index
      %swap3A_61 = memref.load %arg5[%swap3A_59, %swap3A_60] : memref<1x1xf32, #tpu.memory_space<smem>>
      memref.store %div3A_58, %arg5[%swap3A_59, %swap3A_60] : memref<1x1xf32, #tpu.memory_space<smem>>
      %mul3A_62 = arith.constant 1.200000e+00 : f32
      %mul3A_63 = arith.mulf %div3A_58, %mul3A_62 : f32
      %swap3A_64 = arith.constant 0 : index
      %swap3A_65 = arith.constant 0 : index
      %swap3A_66 = memref.load %arg4[%swap3A_64, %swap3A_65] : memref<1x1xf32, #tpu.memory_space<smem>>
      memref.store %mul3A_63, %arg4[%swap3A_64, %swap3A_65] : memref<1x1xf32, #tpu.memory_space<smem>>
      %get3A_67 = arith.constant 0 : index
      %get3A_68 = arith.constant 0 : index
      %get3A_69 = vector.load %arg7[%get3A_67, %get3A_68] : memref<1024x1xf32, #tpu.memory_space<vmem>>, vector<1024x1xf32>
      %div3A_70 = arith.constant 4.608000e+03 : f32
      %div3A_71 = vector.broadcast %div3A_70 : f32 to vector<1024x1xf32>
      %div3A_72 = arith.divf %get3A_69, %div3A_71 : vector<1024x1xf32>
      %add3A_73 = arith.constant 1.000000e-10 : f32
      %add3A_74 = vector.broadcast %add3A_73 : f32 to vector<1024x1xf32>
      %add3A_75 = arith.addf %div3A_72, %add3A_74 : vector<1024x1xf32>
      %log3A = math.log %add3A_75 : vector<1024x1xf32>
      %mul3A_76 = arith.mulf %div3A_72, %log3A : vector<1024x1xf32>
      %reduce_sum3A_77 = vector.shape_cast %mul3A_76 : vector<1024x1xf32> to vector<1x1024x1xf32>
      %reduce_sum3A_78 = arith.constant dense<0.000000e+00> : vector<1xf32>
      %reduce_sum3A_79 = vector.multi_reduction <add>, %reduce_sum3A_77, %reduce_sum3A_78 [1, 2] : vector<1x1024x1xf32> to vector<1xf32>
      %reduce_sum3A_80 = vector.shape_cast %reduce_sum3A_79 : vector<1xf32> to vector<1x1x1xf32>
      %reduce_sum3A_81 = vector.extract %reduce_sum3A_80[0, 0, 0] : f32 from vector<1x1x1xf32>
      %neg3A = arith.constant 0.000000e+00 : f32
      %neg3A_82 = arith.subf %neg3A, %reduce_sum3A_81 : f32
      %exp3A = math.exp %neg3A_82 : f32
      %swap3A_83 = arith.constant 0 : index
      %swap3A_84 = arith.constant 0 : index
      %swap3A_85 = memref.load %arg6[%swap3A_83, %swap3A_84] : memref<1x1xf32, #tpu.memory_space<smem>>
      memref.store %exp3A, %arg6[%swap3A_83, %swap3A_84] : memref<1x1xf32, #tpu.memory_space<smem>>
    } else {
    }
    return
  }
  func.func @transform_0(%arg0: i32) -> (i32, i32, i32) {
    %c0_i32 = arith.constant 0 : i32
    %c0_i32_0 = arith.constant 0 : i32
    %c0_i32_1 = arith.constant 0 : i32
    return %arg0, %c0_i32, %c0_i32_0 : i32, i32, i32
  }
  func.func @transform_1(%arg0: i32) -> (i32, i32) {
    %c0_i32 = arith.constant 0 : i32
    %c0_i32_0 = arith.constant 0 : i32
    %c0_i32_1 = arith.constant 0 : i32
    return %c0_i32, %c0_i32_0 : i32, i32
  }
  func.func @transform_2(%arg0: i32) -> (i32, i32, i32) {
    %c0_i32 = arith.constant 0 : i32
    %c0_i32_0 = arith.constant 0 : i32
    %c0_i32_1 = arith.constant 0 : i32
    return %arg0, %c0_i32, %c0_i32_0 : i32, i32, i32
  }
  func.func @transform_3(%arg0: i32) -> (i32, i32) {
    %c0_i32 = arith.constant 0 : i32
    %c0_i32_0 = arith.constant 0 : i32
    %c0_i32_1 = arith.constant 0 : i32
    return %c0_i32, %c0_i32_0 : i32, i32
  }
  func.func @transform_4(%arg0: i32) -> (i32, i32) {
    %c0_i32 = arith.constant 0 : i32
    %c0_i32_0 = arith.constant 0 : i32
    %c0_i32_1 = arith.constant 0 : i32
    return %c0_i32, %c0_i32_0 : i32, i32
  }
  func.func @transform_5(%arg0: i32) -> (i32, i32) {
    %c0_i32 = arith.constant 0 : i32
    %c0_i32_0 = arith.constant 0 : i32
    %c0_i32_1 = arith.constant 0 : i32
    return %c0_i32, %c0_i32_0 : i32, i32
  }
}

</mosaic_0001>

<sc_bundles>
// kernel: kernel.4.cloned.1.call-start
scs
__scs_entry_jumppad:
0x0: {  	(pc) =	sbr.rel $0x88, $3  }
0x1: {  	(tag) =	ssettag $0x0;
	lr =	simm.s32 $0x1  }
0x2: {  	[smem:$0x3F9F] =	sst lr;
	_ =	strace $0xD0000000  }
0x3: {  	_ = 	snop  }
0x4: {  	_ = 	snop  }
0x5: {  	_ = 	snop  }
0x6: {  	_ = 	snop  }
0x7: {  	_ = 	snop  }
__scs_overlays_trampoline_lowered:
0x8: {  	[smem:$0x3FAE] =	sst s0  }
0x9: {  	[smem:$0x3FAF] =	sst s1  }
0xa: {  	[smem:$0x3FB0] =	sst s2  }
0xb: {  	[smem:$0x3FB1] =	sst s3  }
0xc: {  	[smem:$0x3FB2] =	sst s4  }
0xd: {  	[smem:$0x3FB3] =	sst s5  }
0xe: {  	[smem:$0x3FB4] =	sst s6  }
0xf: {  	[smem:$0x3FB5] =	sst s7  }
0x10: {  	[smem:$0x3FB6] =	sst s8  }
0x11: {  	[smem:$0x3FB7] =	sst s9;
	s0 =	simm.s32 @!p0 $0x0  }
0x12: {  	s1 =	sld [smem:$0x3F9D];
	s0 =	simm.s32 @p0 $0x1  }
0x13: {  	[smem:$0x3FB8] =	sst s0;
	s0 =	simm.s32 @!p1 $0x0  }
0x14: {  	s2 =	sld [smem:$0x3F9C];
	s0 =	simm.s32 @p1 $0x1  }
0x15: {  	[smem:$0x3FB9] =	sst s0;
	s0 =	simm.s32 @!p2 $0x0  }
0x16: {  	s3 =	sld [smem:$0x3FDB];
	s0 =	simm.s32 @p2 $0x1  }
0x17: {  	s4 =	simm.s32 $0x1BF5;
	[smem:$0x3FBB] =	sst s0  }
0x18: {  	s0 =	sld [smem:$0x3F9E];
	_ =	swait.ge [sflag:s4], $0x0  }
0x19: {  	s7 =	sld [smem:$0x3F9F]  }
0x1a: {  	s8 =	sadd.s32 $0xFFFFE003, lr  }
0x1b: {  	s9 =	sadd.s32 $0xFFFFFEF7, lr;
	s5 =	simm.s32 $0xFFFFFFFF;
	p2 =	slt.u32 s8, $0xFFFFF086  }
0x1c: {  	p1 =	slt.u32 s9, $0xF7A;
	s5 =	simm.s32 @!p2 $0x0  }
0x1d: {  	s5 =	simm.s32 @p1 $0x1;
	p0 =	seq.s32 s7, s2  }
0x1e: {  	s7 =	smul.u32 @!p0 $0xF7A, s2;
	p2 =	seq.s32 @!p0 s5, $0x0  }
0x1f: {  	s9 =	smul.u32 $0xF7A, s1;
	s8 =	simm.s32 @!p0 $0x1BF5;
	p2 =	por !p2, p0  }
0x20: {  	[sflag:s8] =	ssyncset.s32 @!p0 $0xFFFFF086;
	s6 =	sadd.s32 @!p0 s3, s7;
	s7 =	simm.s32 @!p0 $0x108  }
0x21: {  	s3 =	sadd.s32 s3, s9;
	s6 =	sadd.s32 @!p0 $0x88, s6;
	s7 =	simm.s32 @p2 $0x1082  }
0x22: {  	[simem:s7], [sflag:s8] =	dma.local @!p0 [hbm:s6], $0xF7A  }
0x23: {  	s9 =	sor.u32 $0xD0000000, s2;
	s6 =	simm.s32 $0x108;
	_ =	swait.ge @!p0 [sflag:s8], $0x0  }
0x24: {  	s3 =	sadd.s32 $0x88, s3;
	s6 =	simm.s32 @!p1 $0x1082;
	[sflag:s4] =	ssyncset.s32 $0xFFFFF086  }
0x25: {  	[simem:s6], [sflag:s4] =	dma.local [hbm:s3], $0xF7A  }
0x26: {  	[smem:$0x3F9F] =	sst s1;
	(tag) =	ssettag s2;
	_ =	strace s9  }
0x27: {  	s1 =	sld [smem:$0x3FAF]  }
0x28: {  	s2 =	sld [smem:$0x3FB0]  }
0x29: {  	s4 =	sld [smem:$0x3FB2]  }
0x2a: {  	p0 =	seq.s32 s5, $0x0;
	s5 =	sld [smem:$0x3FB3]  }
0x2b: {  	s6 =	sld [smem:$0x3FB4]  }
0x2c: {  	s7 =	sld [smem:$0x3FB5]  }
0x2d: {  	s3 =	simm.s32 $0x108;
	s8 =	sld [smem:$0x3FB6]  }
0x2e: {  	s3 =	simm.s32 @!p0 $0x1082;
	s9 =	sld [smem:$0x3FB7]  }
0x2f: {  	lr =	sadd.s32 s0, s3;
	s0 =	sld [smem:$0x3FAE]  }
0x30: {  	s3 =	sld [smem:$0x3FB1]  }
0x31: {  	[smem:$0x3FBA] =	sst s10  }
0x32: {  	s10 =	sld [smem:$0x3FB8];
	_ =	sdelay $0x3  }
0x33: {  	p0 =	seq.s32 s10, $0x1;
	s10 =	sld [smem:$0x3FBA];
	_ =	sdelay $0x3  }
0x34: {  	[smem:$0x3FBA] =	sst s10  }
0x35: {  	s10 =	sld [smem:$0x3FB9];
	_ =	sdelay $0x3  }
0x36: {  	p1 =	seq.s32 s10, $0x1;
	s10 =	sld [smem:$0x3FBA];
	_ =	sdelay $0x3  }
0x37: {  	[smem:$0x3FBA] =	sst s10  }
0x38: {  	s10 =	sld [smem:$0x3FBB]  }
0x39: {  	_ = 	snop;
	(pc) =	sbr.ind lr, $3  }
0x3a: {  	_ = 	snop  }
0x3b: {  	_ = 	snop  }
0x3c: {  	p2 =	seq.s32 s10, $0x1;
	s10 =	sld [smem:$0x3FBA]  }
0x3d: {  	_ =	shalt  }
0x3e: {  	_ =	shalt  }
0x3f: {  	_ =	shalt  }
0x40: {  	_ =	shalt  }
0x41: {  	_ =	shalt  }
0x42: {  	_ =	shalt  }
0x43: {  	_ =	shalt  }
0x44: {  	_ =	shalt  }
0x45: {  	_ =	shalt  }
0x46: {  	_ =	shalt  }
0x47: {  	_ =	shalt  }
0x48: {  	_ =	shalt  }
0x49: {  	_ =	shalt  }
0x4a: {  	_ =	shalt  }
0x4b: {  	_ =	shalt  }
0x4c: {  	_ =	shalt  }
0x4d: {  	_ =	shalt  }
0x4e: {  	_ =	shalt  }
0x4f: {  	_ =	shalt  }
0x50: {  	_ =	shalt  }
0x51: {  	_ =	shalt  }
0x52: {  	_ =	shalt  }
0x53: {  	_ =	shalt  }
0x54: {  	_ =	shalt  }
0x55: {  	_ =	shalt  }
0x56: {  	_ =	shalt  }
0x57: {  	_ =	shalt  }
0x58: {  	_ =	shalt  }
0x59: {  	_ =	shalt  }
0x5a: {  	_ =	shalt  }
0x5b: {  	_ =	shalt  }
0x5c: {  	_ =	shalt  }
0x5d: {  	_ =	shalt  }
0x5e: {  	_ =	shalt  }
0x5f: {  	_ =	shalt  }
0x60: {  	_ =	shalt  }
0x61: {  	_ =	shalt  }
0x62: {  	_ =	shalt  }
0x63: {  	_ =	shalt  }
0x64: {  	_ =	shalt  }
0x65: {  	_ =	shalt  }
0x66: {  	_ =	shalt  }
0x67: {  	_ =	shalt  }
0x68: {  	_ =	shalt  }
0x69: {  	_ =	shalt  }
0x6a: {  	_ =	shalt  }
0x6b: {  	_ =	shalt  }
0x6c: {  	_ =	shalt  }
0x6d: {  	_ =	shalt  }
0x6e: {  	_ =	shalt  }
0x6f: {  	_ =	shalt  }
0x70: {  	_ =	shalt  }
0x71: {  	_ =	shalt  }
0x72: {  	_ =	shalt  }
0x73: {  	_ =	shalt  }
0x74: {  	_ =	shalt  }
0x75: {  	_ =	shalt  }
0x76: {  	_ =	shalt  }
0x77: {  	_ =	shalt  }
0x78: {  	_ =	shalt  }
0x79: {  	_ =	shalt  }
0x7a: {  	_ =	shalt  }
0x7b: {  	_ =	shalt  }
0x7c: {  	_ =	shalt  }
0x7d: {  	_ =	shalt  }
0x7e: {  	_ =	shalt  }
0x7f: {  	_ =	shalt  }
0x80: {  	_ =	shalt  }
0x81: {  	_ =	shalt  }
0x82: {  	_ =	shalt  }
0x83: {  	_ =	shalt  }
0x84: {  	_ =	shalt  }
0x85: {  	_ =	shalt  }
0x86: {  	_ =	shalt  }
0x87: {  	_ =	shalt  }
.Lfunc_end0:
.L_simem_size_0:
called_computation_lowered:
.L_overlay_start_0:
0x88: {  	s2 =	sld [smem:$0x3FD9]  }
0x89: {  	s3 =	sld [smem:$0x3FFE];
	_ =	sdelay $0x1  }
0x8a: {  	s1 =	srdreg.scid  }
0x8b: {  	s0 =	sand.u32 $0x1, s1  }
0x8c: {  	s14 =	sshll.u32 s0, $0xA;
	s2 =	sadd.s32 s3, s2  }
0x8d: {  	s2 =	sadd.s32 s2, s14  }
0x8e: {  	[smem:$0x3FC6] =	sst s2  }
0x8f: {  	_ = 	snop  }
0x90: {  	s2 =	sld [smem:$0x3FD0];
	_ =	sdelay $0x2  }
0x91: {  	s4 =	simm.s32 $0xA;
	s5 =	simm.s32 $0x10;
	s15 =	sld [smem:$0x3FC8]  }
0x92: {  	[smem:s5], [sflag:s4] =	dma.local [hbm:s2], $0x1  }
0x93: {  	_ =	swait.eq [sflag:s4], $0x1  }
0x94: {  	[sflag:s4] =	ssyncset.done $0x0  }
0x95: {  	[sflag:s4] =	ssyncadd.s32 $0xFFFFFFFF  }
0x96: {  	s16 =	sld [smem:$0x10];
	(tm) =	ssettm $0x1  }
0x97: {  	s17 =	sld [smem:$0x3FFB];
	_ =	sdelay $0x3  }
0x98: {  	_ =	strace s17  }
0x99: {  	s4 =	sld [smem:$0x3FFC];
	_ =	sdelay $0x3  }
0x9a: {  	_ =	strace s4  }
0x9b: {  	s4 =	sld [smem:$0x3FFD];
	_ =	sdelay $0x3  }
0x9c: {  	_ =	strace s4  }
0x9d: {  	_ =	strace $0x8FFFFFFF  }
0x9e: {  	s18 =	sld [smem:$0x3FDB];
	_ =	sdelay $0x1  }
0x9f: {  	s19 =	simm.s32 $_scs_section_size  }
0xa0: {  	s6 =	simm.s32 $_size__tile_overlayer_lowered;
	s7 =	simm.s32 $_tile_overlayer_lowered  }
0xa1: {  	s22 =	simm.s32 $0x1BFF;
	s21 =	sshll.u32 s7, $0x1;
	s4 =	sadd.s32 s19, s18  }
0xa2: {  	s8 =	simm.s32 $0x0;
	s20 =	sshll.u32 s6, $0x1;
	s6 =	sadd.s32 s21, s4  }
0xa3: {  	[timem:s8], [sflag:s22] =	dma.local [hbm:s6], s20  }
0xa4: {  	_ =	swait.ge [sflag:s22], s20  }
0xa5: {  	s5 =	ssub.s32 $0x0, s20;
	[sflag:s22] =	ssyncset.done $0x0  }
0xa6: {  	[sflag:s22] =	ssyncadd.s32 s5;
	_ =	sdelay $0x1  }
0xa7: {  	s23 =	simm.s32 $0x1B8B  }
0xa8: {  	_ =	swait.ge [sflag:s23], $0x1  }
0xa9: {  	[sflag:s23] =	ssyncset.done $0x0  }
0xaa: {  	s25 =	simm.s32 $0x1B8E;
	s24 =	sld [smem:$0x3FFE];
	[sflag:s23] =	ssyncadd.s32 $0xFFFFFFFF  }
0xab: {  	s26 =	simm.s32 $execute0_lowered;
	[smem:$0x3FD2] =	sst s25  }
0xac: {  	s6 =	sshll.u32 s26, $0x1;
	_ =	strace $0x80000046;
	[dreg:$0x1] =	wrdreg $0xFFFFFFFF  }
0xad: {  	s28 =	simm.s32 $_size_execute0_lowered;
	s4 =	sadd.s32 s4, s6;
	[dreg:$0x0] =	wrdreg $0x0  }
0xae: {  	s6 =	sshll.u32 s28, $0x1;
	[dreg:$0x2] =	wrdreg s4  }
0xaf: {  	[dreg:$0x3] =	wrdreg s6  }
0xb0: {  	[dreg:$0x4] =	wrdreg $0xC0  }
0xb1: {  	_ =	task [dreg:s8], $0x5FFFF  }
0xb2: {  	[dreg:$0x1] =	wrdreg $0xFFFFFFFF  }
0xb3: {  	[dreg:$0x0] =	wrdreg $0x60  }
0xb4: {  	[dreg:$0x2] =	wrdreg s15  }
0xb5: {  	[dreg:$0x3] =	wrdreg s24  }
0xb6: {  	[dreg:$0x4] =	wrdreg s16  }
0xb7: {  	[dreg:$0x5] =	wrdreg $0x9  }
0xb8: {  	_ =	task.clear_ibuf [dreg:s8], $0x6FFFF;
	_ =	strace $0x90000046  }
0xb9: {  	s29 =	simm.s32 $0x9;
	_ =	strace $0x80000048  }
0xba: {  	_ =	swait.ge [sflag:s29], $0x1  }
0xbb: {  	[sflag:s29] =	ssyncadd.s32 $0xFFFFFFFF  }
0xbc: {  	_ =	strace $0x90000048  }
0xbd: {  	_ =	sfence  }
0xbe: {  	s30 =	sld [smem:$0x0];
	_ =	sdelay $0x2  }
0xbf: {  	s31 =	sshll.u32 s1, $0xD;
	s1 =	sshrl.u32 s1, $0x2  }
0xc0: {  	s3 =	sand.u32 $0x4000, s31;
	s1 =	sadd.s32 s1, s30  }
0xc1: {  	s0 =	sor.u32 s3, s0;
	s1 =	sshll.u32 s1, $0x11  }
0xc2: {  	s0 =	sor.u32 s1, s0  }
0xc3: {  	s0 =	sadd.s32 $0x8F2B, s0  }
0xc4: {  	[sflag:s0] =	ssyncadd.remote.s32 $0x1  }
0xc5: {  	_ =	sfence.sel $0xFFFF  }
0xc6: {  	[dreg:$0x0] =	wrdreg $0xFFFFFFFF;
	(pc) =	sbr.abs _section_cstart, $3  }
0xc7: {  	[dreg:$0x1] =	wrdreg $0xFFFFFFFF  }
0xc8: {  	_ =	task.clear_ibuf [dreg:s8], $0x2FFFF;
	_ =	strace $0x9FFFFFFF  }
0xc9: {  	(tm) =	ssettm $0x7FFFFFFF  }
tec
execute0_lowered:
.L_overlay_start_1:
0x0: {  	(tag) =	ssettag $0x1  }
0x1: {  	s1 =	rddreg [dreg:$0x0]  }
0x2: {  	s2 =	srdreg.scid;
	s4 =	rddreg [dreg:$0x1]  }
0x3: {  	s0 =	stileid.u32;
	s6 =	rddreg [dreg:$0x2]  }
0x4: {  	s3 =	simm.s32 $0x0;
	s11 =	simm.s32 $0x900;
	s12 =	simm.s32 $0x1100  }
0x5: {  	s13 =	simm.s32 $0x1900;
	s14 =	simm.s32 $0x2100;
	s15 =	simm.s32 $0x2900  }
0x6: {  	s16 =	simm.s32 $0x3100;
	s17 =	simm.s32 $0x3900;
	s18 =	simm.s32 $0x4100  }
0x7: {  	s19 =	simm.s32 $0x4900;
	s20 =	simm.s32 $0x5100;
	s21 =	simm.s32 $0x5900  }
0x8: {  	s22 =	simm.s32 $0x6100;
	s23 =	simm.s32 $0x6900;
	s24 =	simm.s32 $0x7100  }
0x9: {  	s28 =	simm.s32 $0x8900;
	s5 =	sand.u32 $0x1, s2;
	s25 =	sshll.u32 s0, $0x1  }
0xa: {  	s29 =	simm.s32 $0x1;
	s2 =	rddreg [dreg:$0x3];
	s7 =	sor.u32 s5, s25  }
0xb: {  	s30 =	simm.s32 $0x2;
	[smem:$0x7FF] =	sst s3;
	s8 =	smul.u32 $0x12, s7  }
0xc: {  	s5 =	ssub.s32 $0x2, s5;
	_ =	strace $0x80000047;
	s9 =	smul.u32 $0x9000, s7  }
0xd: {  	s25 =	simm.s32 $0x7900;
	s10 =	sshrl.u32 s5, $0x1;
	s7 =	smul.u32 $0x1200, s7  }
0xe: {  	s26 =	ssub.s32 s5, s10;
	s10 =	simm.s32 $0x100;
	s4 =	sadd.s32 s8, s4  }
0xf: {  	v2 =	vlaneseq.u32;
	s9 =	sshrl.u32 s9, $0x3;
	s5 =	sadd.s32 s6, s7;
	s8 =	smax.u32 s26, $0x1  }
0x10: {  	vm0 =	vmmov $0xffff;
	v1 =	vshrl.u32 v2, $0x3;
	s26 =	simm.s32 $0x8100;
	s4 =	sadd.s32 $0x400, s4;
	s31 =	sadd.s32 s6, s9  }
0x11: {  	v0 =	vand.u32 $0x7, v2;
	v2 =	vor.u32 $0x8, v2;
	v1 =	vmul.u32 $0x8, v1;
	s9 =	simm.s32 $0x3;
	s6 =	sadd.s32 $0x600, s31;
	s7 =	sadd.s32 $0xC00, s31  }
.LBB2_1:
0x12: {  	[tilespmem:s3], [sflag:$0x3] =	stream.linear.gather [hbm4b:s4+s3], $0x90, $0x38;
	[tilespmem:$0x9100] =	vst v63  }
0x13: {  	_ =	swait.ge [sflag:s9], $0x90  }
0x14: {  	[sflag:s9] =	ssyncset.done $0x0  }
0x15: {  	[sflag:s9] =	ssyncadd.s32 $0xFFFFFF70  }
0x16: {  	v3 =	vld [tilespmem:$0x0];
	_ =	sdelay $0x4  }
0x17: {  	v4 =	vshll.u32 v3, $0x1  }
0x18: {  	v3 =	vand.u32 $0x7, v3;
	v4 =	vand.u32 $0xFFFFFFF0, v4  }
0x19: {  	v3 =	vor.u32 v3, v4  }
0x1a: {  	v4 =	vperm.xlane v3, v0;
	_ =	sdelay $0x1  }
0x1b: {  	v3 =	vperm.xlane v3, v2;
	v4 =	vadd.s32 v1, v4;
	_ =	sdelay $0x1  }
0x1c: {  	v3 =	vadd.s32 v1, v3;
	_ =	sdelay $0x2  }
0x1d: {  	[tilespmem:s10], [sflag:$0x1] =	stream.indirect_vreg.gather [hbm4b:s1+s3], $0x80, v4, vm0, $0xb8;
	[tilespmem:$0x9100] =	vst v63  }
0x1e: {  	_ = 	snop  }
0x1f: {  	[tilespmem:s11], [sflag:$0x1] =	stream.indirect_vreg.gather [hbm4b:s1+s3], $0x80, v3, vm0, $0xb8;
	[tilespmem:$0x9100] =	vst v63  }
0x20: {  	v3 =	vld [tilespmem:$0x10];
	_ =	sdelay $0x4  }
0x21: {  	v56 =	vshll.u32 v3, $0x1  }
0x22: {  	v3 =	vand.u32 $0x7, v3;
	v4 =	vand.u32 $0xFFFFFFF0, v56  }
0x23: {  	v3 =	vor.u32 v3, v4  }
0x24: {  	v4 =	vperm.xlane v3, v0;
	_ =	sdelay $0x1  }
0x25: {  	v3 =	vperm.xlane v3, v2;
	v4 =	vadd.s32 v1, v4;
	_ =	sdelay $0x1  }
0x26: {  	v3 =	vadd.s32 v1, v3;
	_ =	sdelay $0x2  }
0x27: {  	[tilespmem:s12], [sflag:$0x1] =	stream.indirect_vreg.gather [hbm4b:s1+s3], $0x80, v4, vm0, $0xb8;
	[tilespmem:$0x9100] =	vst v63  }
0x28: {  	_ = 	snop  }
0x29: {  	[tilespmem:s13], [sflag:$0x1] =	stream.indirect_vreg.gather [hbm4b:s1+s3], $0x80, v3, vm0, $0xb8;
	[tilespmem:$0x9100] =	vst v63  }
0x2a: {  	v3 =	vld [tilespmem:$0x20];
	_ =	sdelay $0x4  }
0x2b: {  	v57 =	vshll.u32 v3, $0x1  }
0x2c: {  	v3 =	vand.u32 $0x7, v3;
	v4 =	vand.u32 $0xFFFFFFF0, v57  }
0x2d: {  	v3 =	vor.u32 v3, v4  }
0x2e: {  	v4 =	vperm.xlane v3, v0;
	_ =	sdelay $0x1  }
0x2f: {  	v3 =	vperm.xlane v3, v2;
	v4 =	vadd.s32 v1, v4;
	_ =	sdelay $0x1  }
0x30: {  	v3 =	vadd.s32 v1, v3;
	_ =	sdelay $0x2  }
0x31: {  	[tilespmem:s14], [sflag:$0x1] =	stream.indirect_vreg.gather [hbm4b:s1+s3], $0x80, v4, vm0, $0xb8;
	[tilespmem:$0x9100] =	vst v63  }
0x32: {  	_ = 	snop  }
0x33: {  	[tilespmem:s15], [sflag:$0x1] =	stream.indirect_vreg.gather [hbm4b:s1+s3], $0x80, v3, vm0, $0xb8;
	[tilespmem:$0x9100] =	vst v63  }
0x34: {  	v3 =	vld [tilespmem:$0x30];
	_ =	sdelay $0x4  }
0x35: {  	v58 =	vshll.u32 v3, $0x1  }
0x36: {  	v3 =	vand.u32 $0x7, v3;
	v4 =	vand.u32 $0xFFFFFFF0, v58  }
0x37: {  	v3 =	vor.u32 v3, v4  }
0x38: {  	v4 =	vperm.xlane v3, v0;
	_ =	sdelay $0x1  }
0x39: {  	v3 =	vperm.xlane v3, v2;
	v4 =	vadd.s32 v1, v4;
	_ =	sdelay $0x1  }
0x3a: {  	v3 =	vadd.s32 v1, v3;
	_ =	sdelay $0x2  }
0x3b: {  	[tilespmem:s16], [sflag:$0x1] =	stream.indirect_vreg.gather [hbm4b:s1+s3], $0x80, v4, vm0, $0xb8;
	[tilespmem:$0x9100] =	vst v63  }
0x3c: {  	_ = 	snop  }
0x3d: {  	[tilespmem:s17], [sflag:$0x1] =	stream.indirect_vreg.gather [hbm4b:s1+s3], $0x80, v3, vm0, $0xb8;
	[tilespmem:$0x9100] =	vst v63  }
0x3e: {  	v3 =	vld [tilespmem:$0x40];
	_ =	sdelay $0x4  }
0x3f: {  	v59 =	vshll.u32 v3, $0x1  }
0x40: {  	v3 =	vand.u32 $0x7, v3;
	v4 =	vand.u32 $0xFFFFFFF0, v59  }
0x41: {  	v3 =	vor.u32 v3, v4  }
0x42: {  	v4 =	vperm.xlane v3, v0;
	_ =	sdelay $0x1  }
0x43: {  	v3 =	vperm.xlane v3, v2;
	v4 =	vadd.s32 v1, v4;
	_ =	sdelay $0x1  }
0x44: {  	v3 =	vadd.s32 v1, v3;
	_ =	sdelay $0x2  }
0x45: {  	[tilespmem:s18], [sflag:$0x1] =	stream.indirect_vreg.gather [hbm4b:s1+s3], $0x80, v4, vm0, $0xb8;
	[tilespmem:$0x9100] =	vst v63  }
0x46: {  	_ = 	snop  }
0x47: {  	[tilespmem:s19], [sflag:$0x1] =	stream.indirect_vreg.gather [hbm4b:s1+s3], $0x80, v3, vm0, $0xb8;
	[tilespmem:$0x9100] =	vst v63  }
0x48: {  	v3 =	vld [tilespmem:$0x50];
	_ =	sdelay $0x4  }
0x49: {  	v60 =	vshll.u32 v3, $0x1  }
0x4a: {  	v3 =	vand.u32 $0x7, v3;
	v4 =	vand.u32 $0xFFFFFFF0, v60  }
0x4b: {  	v3 =	vor.u32 v3, v4  }
0x4c: {  	v4 =	vperm.xlane v3, v0;
	_ =	sdelay $0x1  }
0x4d: {  	v3 =	vperm.xlane v3, v2;
	v4 =	vadd.s32 v1, v4;
	_ =	sdelay $0x1  }
0x4e: {  	v3 =	vadd.s32 v1, v3;
	_ =	sdelay $0x2  }
0x4f: {  	[tilespmem:s20], [sflag:$0x1] =	stream.indirect_vreg.gather [hbm4b:s1+s3], $0x80, v4, vm0, $0xb8;
	[tilespmem:$0x9100] =	vst v63  }
0x50: {  	_ = 	snop  }
0x51: {  	[tilespmem:s21], [sflag:$0x1] =	stream.indirect_vreg.gather [hbm4b:s1+s3], $0x80, v3, vm0, $0xb8;
	[tilespmem:$0x9100] =	vst v63  }
0x52: {  	v3 =	vld [tilespmem:$0x60];
	_ =	sdelay $0x4  }
0x53: {  	v61 =	vshll.u32 v3, $0x1  }
0x54: {  	v3 =	vand.u32 $0x7, v3;
	v4 =	vand.u32 $0xFFFFFFF0, v61  }
0x55: {  	v3 =	vor.u32 v3, v4  }
0x56: {  	v4 =	vperm.xlane v3, v0;
	_ =	sdelay $0x1  }
0x57: {  	v3 =	vperm.xlane v3, v2;
	v4 =	vadd.s32 v1, v4;
	_ =	sdelay $0x1  }
0x58: {  	v3 =	vadd.s32 v1, v3;
	_ =	sdelay $0x2  }
0x59: {  	[tilespmem:s22], [sflag:$0x1] =	stream.indirect_vreg.gather [hbm4b:s1+s3], $0x80, v4, vm0, $0xb8;
	[tilespmem:$0x9100] =	vst v63  }
0x5a: {  	_ = 	snop  }
0x5b: {  	[tilespmem:s23], [sflag:$0x1] =	stream.indirect_vreg.gather [hbm4b:s1+s3], $0x80, v3, vm0, $0xb8;
	[tilespmem:$0x9100] =	vst v63  }
0x5c: {  	v3 =	vld [tilespmem:$0x70];
	_ =	sdelay $0x4  }
0x5d: {  	v62 =	vshll.u32 v3, $0x1  }
0x5e: {  	v3 =	vand.u32 $0x7, v3;
	v4 =	vand.u32 $0xFFFFFFF0, v62  }
0x5f: {  	v3 =	vor.u32 v3, v4  }
0x60: {  	v4 =	vperm.xlane v3, v0;
	_ =	sdelay $0x1  }
0x61: {  	v3 =	vperm.xlane v3, v2;
	v4 =	vadd.s32 v1, v4;
	_ =	sdelay $0x1  }
0x62: {  	v3 =	vadd.s32 v1, v3;
	_ =	sdelay $0x2  }
0x63: {  	[tilespmem:s24], [sflag:$0x1] =	stream.indirect_vreg.gather [hbm4b:s1+s3], $0x80, v4, vm0, $0xb8;
	[tilespmem:$0x9100] =	vst v63  }
0x64: {  	_ = 	snop  }
0x65: {  	[tilespmem:s25], [sflag:$0x1] =	stream.indirect_vreg.gather [hbm4b:s1+s3], $0x80, v3, vm0, $0xb8;
	[tilespmem:$0x9100] =	vst v63  }
0x66: {  	v3 =	vld [tilespmem:$0x80];
	_ =	sdelay $0x4  }
0x67: {  	v63 =	vshll.u32 v3, $0x1  }
0x68: {  	v3 =	vand.u32 $0x7, v3;
	v4 =	vand.u32 $0xFFFFFFF0, v63  }
0x69: {  	v3 =	vor.u32 v3, v4  }
0x6a: {  	v4 =	vperm.xlane v3, v0;
	_ =	sdelay $0x1  }
0x6b: {  	v3 =	vperm.xlane v3, v2;
	v4 =	vadd.s32 v1, v4;
	_ =	sdelay $0x1  }
0x6c: {  	v3 =	vadd.s32 v1, v3;
	_ =	sdelay $0x2  }
0x6d: {  	[tilespmem:s26], [sflag:$0x1] =	stream.indirect_vreg.gather [hbm4b:s1+s3], $0x80, v4, vm0, $0xb8;
	[tilespmem:$0x9100] =	vst v63  }
0x6e: {  	_ = 	snop  }
0x6f: {  	[tilespmem:s28], [sflag:$0x1] =	stream.indirect_vreg.gather [hbm4b:s1+s3], $0x80, v3, vm0, $0xb8;
	[tilespmem:$0x9100] =	vst v63  }
0x70: {  	_ =	swait.ge [sflag:s29], $0x3000  }
0x71: {  	[sflag:s29] =	ssyncset.done $0x0  }
0x72: {  	[sflag:s29] =	ssyncadd.s32 $0xFFFFD000  }
0x73: {  	[hbm4b:s5+s3] =	stream.linear.scatter [tilespmem:s10], [sflag:$0x2], $0x3000, $0x38;
	[tilespmem:$0x9100] =	vst v63  }
0x74: {  	_ =	swait.ge [sflag:s29], $0x3000  }
0x75: {  	[sflag:s29] =	ssyncset.done $0x0  }
0x76: {  	[sflag:s29] =	ssyncadd.s32 $0xFFFFD000  }
0x77: {  	[hbm4b:s6+s3] =	stream.linear.scatter [tilespmem:s16], [sflag:$0x2], $0x3000, $0x38;
	[tilespmem:$0x9100] =	vst v63  }
0x78: {  	_ =	swait.ge [sflag:s29], $0x3000  }
0x79: {  	[sflag:s29] =	ssyncset.done $0x0  }
0x7a: {  	[sflag:s29] =	ssyncadd.s32 $0xFFFFD000  }
0x7b: {  	[hbm4b:s7+s3] =	stream.linear.scatter [tilespmem:s22], [sflag:$0x2], $0x3000, $0x38;
	[tilespmem:$0x9100] =	vst v63  }
0x7c: {  	_ =	swait.ge [sflag:s30], $0x3000  }
0x7d: {  	[sflag:s30] =	ssyncset.done $0x0  }
0x7e: {  	[sflag:s30] =	ssyncadd.s32 $0xFFFFD000  }
0x7f: {  	p0 =	sne.s32 s8, $0x1;
	_ =	swait.ge [sflag:s30], $0x3000  }
.Ltmp0:
0x80: {  	[sflag:s30] =	ssyncset.done $0x0;
	(pc) =	sbr.rel @p0 .LBB2_1-.Ltmp0, $4  }
0x81: {  	[sflag:s30] =	ssyncadd.s32 $0xFFFFD000  }
0x82: {  	_ =	swait.ge [sflag:s30], $0x3000  }
0x83: {  	[sflag:s30] =	ssyncset.done $0x0  }
0x84: {  	s8 =	sadd.s32 $0xFFFFFFFF, s8;
	[sflag:s30] =	ssyncadd.s32 $0xFFFFD000  }
0x85: {  	_ =	sfence.sel $0x180000  }
0x86: {  	[bflag:$0x0] =	sbarrier.arrive $0xFFFF  }
0x87: {  	p0 =	sne.s32 s0, $0x0;
	_ =	strace $0x90000047  }
0x88: {  	s0 =	sadd.s32 @!p0 $0x100000, s2;
	[bflag:$0x2] =	sbarrier.arrive $0xFFFF  }
0x89: {  	[sflag:s0] =	ssyncadd.tile.s32 @!p0 $0x1;
	_ =	shalt  }
.Lfunc_end2:
_tile_overlayer_lowered:
.L_overlay_start_2:
0x8a: {  	(tag) =	ssettag $0x2  }
0x8b: {  	s0 =	rddreg [dreg:$0x0];
	s2 =	stileid.u32  }
0x8c: {  	s1 =	rddreg [dreg:$0x1];
	p0 =	sne.s32 s2, $0x0  }
0x8d: {  	s3 =	rddreg [dreg:$0x2];
	[bflag:$0x3] =	sbarrier.arrive $0xFFFF;
	s2 =	simm.s32 @!p0 $0x1C03  }
0x8e: {  	[timem:s3], [sflag:s2] =	dma.local @!p0 [hbm:s0], s1  }
0x8f: {  	s0 =	simm.s32 @!p0 $0x3  }
0x90: {  	_ =	swait.ge @!p0 [sflag:s0], s1  }
0x91: {  	s1 =	ssub.s32 @!p0 $0x0, s1;
	[sflag:s0] =	ssyncset.done @!p0 $0x0  }
0x92: {  	[sflag:s0] =	ssyncadd.s32 @!p0 s1  }
0x93: {  	[bflag:$0x3] =	sbarrier.arrive $0xFFFF  }
0x94: {  	_ =	shalt  }

</sc_bundles>
